<compile_context>
chip_gen: v7x
topology: tpu7x:2x2x1
jax: 0.10.2.dev20260603
libtpu: 0.0.44.dev20260713+nightly
codegen_flags: <defaults>
</compile_context>

<pallas_src>
import jax
import jax.numpy as jnp
from jax.experimental import pallas as pl

ROWS2 = 26000
DEPTH2 = 1024
BLOCK_ROWS = 2600


def _onehot_block(idx_ref, out_ref):
    idx = idx_ref[...]
    col = jax.lax.broadcasted_iota(jnp.int32, (BLOCK_ROWS, DEPTH2), 1)
    out_ref[...] = (col == idx).astype(jnp.float32)


def kernel(indices):
    flat = indices.reshape(-1)[:ROWS2].reshape(ROWS2, 1)
    out = pl.pallas_call(
        _onehot_block,
        grid=(ROWS2 // BLOCK_ROWS,),
        in_specs=[pl.BlockSpec((BLOCK_ROWS, 1), lambda i: (i, 0))],
        out_specs=pl.BlockSpec((BLOCK_ROWS, DEPTH2), lambda i: (i, 0)),
        out_shape=jax.ShapeDtypeStruct((ROWS2, DEPTH2), jnp.float32),
    )(flat)
    return out.reshape(1024, 26, 1000)

# --- scband reference (transcript-rebuilt; emitter-appended) ---
"""Pipeline reference for scband-one-hot-model-18141941858327 (READ-ONLY COPY).

The authoritative reference and input builder live on the scoring server;
editing this copy changes nothing except your own understanding.
"""

import jax, jax.numpy as jnp
import numpy as np

DEPTH = 1000
ON_VALUE = 1.0
OFF_VALUE = 0.0
AXIS = -1

def setup_inputs(seed: int = 0) -> dict:
    key = jax.random.key(seed)
    indices = jax.random.randint(key, (1024, 26), 0, DEPTH, dtype=jnp.int32)
    return {"indices": indices}

def reference(indices):
    # Faithful translation of tf.one_hot(indices, depth, on_value, off_value, axis=-1)
    # Out-of-range indices produce off_value everywhere (matches TF semantics since
    # the equality mask is False for all depth positions).
    classes = jnp.arange(DEPTH, dtype=indices.dtype)
    mask = indices[..., None] == classes  # [B, F, DEPTH], axis=-1
    out = jnp.where(mask, jnp.float32(ON_VALUE), jnp.float32(OFF_VALUE))
    return out

if __name__ == "__main__":
    import jax
    _d = setup_inputs()
    print(jax.jit(kernel)(*tuple(_d.values())))

</pallas_src>

<mosaic_0001>
module attributes {stable_mosaic.version = 14 : i64} {
  func.func @_onehot_block(%arg0: i32, %arg1: memref<2600x1xi32, #tpu.memory_space<vmem>>, %arg2: memref<2600x1024xf32, #tpu.memory_space<vmem>>) attributes {dimension_semantics = [#tpu.dimension_semantics<arbitrary>], iteration_bounds = array<i64: 10>, scalar_prefetch = 0 : i64, scratch_operands = 0 : i64, tpu.core_type = #tpu.core_type<tc>, window_params = [{transform_indices = @transform_0, window_bounds = array<i64: 2600, 1>}, {transform_indices = @transform_1, window_bounds = array<i64: 2600, 1024>}]} {
    %get3A = arith.constant 0 : index
    %get3A_0 = arith.constant 0 : index
    %get3A_1 = vector.load %arg1[%get3A, %get3A_0] : memref<2600x1xi32, #tpu.memory_space<vmem>>, vector<2600x1xi32>
    %iota3A = tpu.iota {dimensions = array<i32: 1>} : vector<2600x1024xi32>
    %eq3A = vector.broadcast %get3A_1 : vector<2600x1xi32> to vector<2600x1024xi32>
    %eq3A_2 = arith.cmpi eq, %iota3A, %eq3A : vector<2600x1024xi32>
    %convert_element_type3A = arith.extui %eq3A_2 : vector<2600x1024xi1> to vector<2600x1024xi32>
    %convert_element_type3A_3 = arith.sitofp %convert_element_type3A : vector<2600x1024xi32> to vector<2600x1024xf32>
    %swap3A = arith.constant 0 : index
    %swap3A_4 = arith.constant 0 : index
    %swap3A_5 = vector.load %arg2[%swap3A, %swap3A_4] : memref<2600x1024xf32, #tpu.memory_space<vmem>>, vector<2600x1024xf32>
    tpu.vector_store %arg2[%swap3A, %swap3A_4], %convert_element_type3A_3 {strides = array<i32>} : memref<2600x1024xf32, #tpu.memory_space<vmem>>, vector<2600x1024xf32>,
    return
  }
  func.func @transform_0(%arg0: i32) -> (i32, i32) {
    %c0_i32 = arith.constant 0 : i32
    %c0_i32_0 = arith.constant 0 : i32
    return %arg0, %c0_i32 : i32, i32
  }
  func.func @transform_1(%arg0: i32) -> (i32, i32) {
    %c0_i32 = arith.constant 0 : i32
    %c0_i32_0 = arith.constant 0 : i32
    return %arg0, %c0_i32 : i32, i32
  }
}

</mosaic_0001>

<sc_bundles>
// kernel: sparse-core-data-format-call.cloned.1.call-start
scs
called_computation_lowered:
.L_overlay_start_0:
0x0: {  	s2 =	sld [smem:$0x3FD9]  }
0x1: {  	s3 =	sld [smem:$0x3FFE];
	_ =	sdelay $0x1  }
0x2: {  	s1 =	srdreg.scid  }
0x3: {  	s0 =	sand.u32 $0x1, s1  }
0x4: {  	s18 =	sshll.u32 s0, $0xA;
	s2 =	sadd.s32 s3, s2  }
0x5: {  	s2 =	sadd.s32 s2, s18  }
0x6: {  	[smem:$0x3FC7] =	sst s2  }
0x7: {  	_ = 	snop  }
0x8: {  	s2 =	sld [smem:$0x3FD0];
	(tm) =	ssettm $0x1  }
0x9: {  	s19 =	sld [smem:$0x3FFB];
	_ =	sdelay $0x3  }
0xa: {  	_ =	strace s19  }
0xb: {  	s3 =	sld [smem:$0x3FFC];
	_ =	sdelay $0x3  }
0xc: {  	_ =	strace s3  }
0xd: {  	s3 =	sld [smem:$0x3FFD];
	_ =	sdelay $0x3  }
0xe: {  	_ =	strace s3  }
0xf: {  	_ =	strace $0x8FFFFFFF  }
0x10: {  	s20 =	sld [smem:$0x3FDB];
	_ =	sdelay $0x1  }
0x11: {  	s4 =	simm.s32 $_scs_section_size  }
0x12: {  	s5 =	simm.s32 $_size__tile_overlayer_lowered;
	s6 =	simm.s32 $_tile_overlayer_lowered  }
0x13: {  	s23 =	simm.s32 $0x1BFF;
	s22 =	sshll.u32 s6, $0x1;
	s3 =	sadd.s32 s4, s20  }
0x14: {  	s7 =	simm.s32 $0x0;
	s21 =	sshll.u32 s5, $0x1;
	s5 =	sadd.s32 s22, s3  }
0x15: {  	[timem:s7], [sflag:s23] =	dma.local [hbm:s5], s21  }
0x16: {  	_ =	swait.ge [sflag:s23], s21  }
0x17: {  	s4 =	ssub.s32 $0x0, s21;
	[sflag:s23] =	ssyncset.done $0x0  }
0x18: {  	[sflag:s23] =	ssyncadd.s32 s4;
	_ =	sdelay $0x1  }
0x19: {  	s24 =	simm.s32 $0x1B8B  }
0x1a: {  	_ =	swait.ge [sflag:s24], $0x1  }
0x1b: {  	[sflag:s24] =	ssyncset.done $0x0  }
0x1c: {  	s26 =	simm.s32 $0x1B8E;
	s25 =	sld [smem:$0x3FFE];
	[sflag:s24] =	ssyncadd.s32 $0xFFFFFFFF  }
0x1d: {  	s27 =	simm.s32 $execute0_lowered;
	[smem:$0x3FD2] =	sst s26  }
0x1e: {  	s5 =	sshll.u32 s27, $0x1;
	_ =	strace $0x80000046;
	[dreg:$0x1] =	wrdreg $0xFFFFFFFF  }
0x1f: {  	s28 =	simm.s32 $_size_execute0_lowered;
	s3 =	sadd.s32 s3, s5;
	[dreg:$0x0] =	wrdreg $0x0  }
0x20: {  	s5 =	sshll.u32 s28, $0x1;
	[dreg:$0x2] =	wrdreg s3  }
0x21: {  	[dreg:$0x3] =	wrdreg s5  }
0x22: {  	[dreg:$0x4] =	wrdreg $0xC0  }
0x23: {  	_ =	task [dreg:s7], $0x5FFFF  }
0x24: {  	[dreg:$0x1] =	wrdreg $0xFFFFFFFF  }
0x25: {  	[dreg:$0x0] =	wrdreg $0x60  }
0x26: {  	[dreg:$0x2] =	wrdreg s25  }
0x27: {  	[dreg:$0x3] =	wrdreg s2  }
0x28: {  	[dreg:$0x4] =	wrdreg $0x9  }
0x29: {  	_ =	task.clear_ibuf [dreg:s7], $0x5FFFF;
	_ =	strace $0x90000046  }
0x2a: {  	s29 =	simm.s32 $0x9;
	_ =	strace $0x80000048  }
0x2b: {  	_ =	swait.ge [sflag:s29], $0x1  }
0x2c: {  	[sflag:s29] =	ssyncadd.s32 $0xFFFFFFFF  }
0x2d: {  	_ =	strace $0x90000048  }
0x2e: {  	_ =	sfence  }
0x2f: {  	s30 =	sld [smem:$0x0];
	_ =	sdelay $0x2  }
0x30: {  	s31 =	sshll.u32 s1, $0xD;
	s1 =	sshrl.u32 s1, $0x2  }
0x31: {  	s3 =	sand.u32 $0x4000, s31;
	s1 =	sadd.s32 s1, s30  }
0x32: {  	s0 =	sor.u32 s3, s0;
	s1 =	sshll.u32 s1, $0x11  }
0x33: {  	s0 =	sor.u32 s1, s0  }
0x34: {  	s0 =	sadd.s32 $0x8F2B, s0  }
0x35: {  	[sflag:s0] =	ssyncadd.remote.s32 $0x1  }
0x36: {  	_ =	sfence.sel $0xFFFF  }
0x37: {  	[dreg:$0x0] =	wrdreg $0xFFFFFFFF;
	(pc) =	sbr.abs _section_cstart, $3  }
0x38: {  	[dreg:$0x1] =	wrdreg $0xFFFFFFFF  }
0x39: {  	_ =	task.clear_ibuf [dreg:s7], $0x2FFFF;
	_ =	strace $0x9FFFFFFF  }
0x3a: {  	(tm) =	ssettm $0x7FFFFFFF  }
0x3b: {  	_ =	shalt  }
tec
execute0_lowered:
.L_overlay_start_1:
0x0: {  	(tag) =	ssettag $0x1  }
0x1: {  	s4 =	rddreg [dreg:$0x0]  }
0x2: {  	s0 =	stileid.u32;
	s2 =	rddreg [dreg:$0x1]  }
0x3: {  	s7 =	srdreg.scid;
	s31 =	simm.s32 $0x2;
	s17 =	simm.s32 $0x0  }
0x4: {  	s9 =	simm.s32 $0x2000;
	s19 =	simm.s32 $0x0;
	s18 =	simm.s32 $0x0  }
0x5: {  	s10 =	simm.s32 $0x0;
	s11 =	simm.s32 $0x0;
	s1 =	sshll.u32 s0, $0x7  }
0x6: {  	s12 =	simm.s32 $0x0;
	s14 =	simm.s32 $0x0;
	s3 =	sand.u32 $0x380, s1  }
0x7: {  	s16 =	simm.s32 $0x0;
	s4 =	sadd.s32 $0x32CC00, s4;
	s5 =	ssub.s32 $0x400, s3  }
0x8: {  	s8 =	sshll.u32 s0, $0x4;
	s7 =	sshll.u32 s7, $0x8;
	s6 =	sand.u32 $0x380, s5  }
0x9: {  	s1 =	rddreg [dreg:$0x2];
	p0 =	sne.s32 s6, $0x0;
	s6 =	simm.s32 $0x1  }
.Ltmp0:
0xa: {  	s5 =	sshrl.u32 s5, $0xA;
	s6 =	simm.s32 @!p0 $0x0;
	(pc) =	sbr.rel .LBB1_1-.Ltmp0, $4  }
0xb: {  	_ =	strace $0x80000047;
	s7 =	sor.u32 s8, s7;
	s6 =	sadd.s32 s6, s5  }
0xc: {  	s7 =	sand.u32 $0x180, s7;
	s5 =	simm.s32 $0x1;
	s6 =	smul.u32 $0x34, s6  }
0xd: {  	s15 =	smov.u32 s3;
	s13 =	smov.u32 s7;
	[sflag:s5] =	ssyncpa.u1 $0x0  }
0xe: {  	p0 =	por $0x0, $0x0;
	[sflag:s31] =	ssyncpa.u1 $0x0;
	s8 =	sor.u32 $0x1, s6  }
.LBB1_4:
0xf: {  	s25 =	sshll.u32 s10, $0xA;
	s24 =	sshra.s32 s24, $0x2;
	s26 =	sshll.u32 s12, $0x3  }
0x10: {  	p1 =	sgt.s32 s11, $0x19;
	s27 =	smov.u32 s11;
	s28 =	sshra.s32 s11, $0x1F  }
0x11: {  	p2 =	sgt.s32 s12, $0x380;
	s31 =	sshra.s32 s12, $0x1F;
	s25 =	sand.u32 $0xFFFFE000, s25  }
0x12: {  	s26 =	sand.u32 $0xFFFFFC00, s26;
	s27 =	simm.s32 @!p1 $0x19;
	s28 =	sand.u32 s28, s11  }
0x13: {  	[tilespmem:s22+$0x2040 ss:$0x81] =	vst.msk $0xffff, v4;
	s23 =	sadd.s32 s24, s23;
	s29 =	sadd.s32 s26, s25;
	s25 =	ssub.s32 s27, s28  }
0x14: {  	[tilespmem:s22+$0x2850 ss:$0x81] =	vst.msk $0xffff, v3;
	s27 =	smov.u32 s12;
	s28 =	smov.u32 s10;
	s26 =	sand.u32 s31, s12  }
0x15: {  	[tilespmem:s22+$0x3060 ss:$0x81] =	vst.msk $0xffff, v2;
	s24 =	sshrl.u32 s29, $0xA;
	s30 =	sadd.s32 $0xFFFFFFE7, s25;
	s27 =	simm.s32 @!p2 $0x380  }
0x16: {  	v5 =	vld [tilespmem:s21+$0xFFFFFFD0];
	[tilespmem:s22+$0x0 ss:$0x81] =	vst.msk $0xffff, v1;
	p2 =	sgt.s32 s10, $0x368;
	s29 =	sshra.s32 s10, $0x1F;
	s22 =	ssub.s32 $0x1A, s25  }
0x17: {  	v58 =	vld [tilespmem:s21+$0xFFFFFFE0];
	p1 =	sgt.s32 s30, $0x0;
	s28 =	simm.s32 @!p2 $0x368;
	s29 =	sand.u32 s29, s10  }
0x18: {  	v59 =	vld [tilespmem:s21+$0xFFFFFFF0];
	s26 =	ssub.s32 s27, s26;
	s27 =	smulhi.u32 $0x418938, s24;
	s28 =	ssub.s32 s28, s29  }
0x19: {  	v60 =	vld [tilespmem:s21+$0x0];
	s30 =	sadd.s32 $0xFFFFFC80, s26;
	s25 =	ssub.s32 $0x400, s26;
	s22 =	simm.s32 @p1 $0x0  }
0x1a: {  	v61 =	vld [tilespmem:s21+$0x10];
	[tilespmem:s23+$0x3870 ss:$0x81] =	vst.msk $0xffff, v0;
	s29 =	sand.u32 $0x78, s12;
	p2 =	sgt.s32 s30, $0x7F;
	s31 =	sadd.s32 $0xFFFFFC98, s28  }
0x1b: {  	v62 =	vld [tilespmem:s21+$0x20];
	[tilespmem:s23+$0x810 ss:$0x81] =	vst.msk $0xffff, v5;
	s27 =	smul.u32 $0x3E8, s27;
	s30 =	sshll.u32 s10, $0x7;
	s28 =	ssub.s32 $0x3E8, s28  }
0x1c: {  	v63 =	vld [tilespmem:s21+$0xFFFFFFC0];
	[tilespmem:s23+$0x1020 ss:$0x81] =	vst.msk $0xffff, v58;
	s25 =	simm.s32 @p2 $0x0;
	p1 =	sgt.s32 s31, $0x7F;
	s31 =	smul.u32 $0x1F400, s11  }
0x1d: {  	[tilespmem:s23+$0x1830 ss:$0x81] =	vst.msk $0xffff, v59;
	s21 =	sand.u32 $0x380, s30;
	s22 =	smul.u32 s25, s22;
	s28 =	simm.s32 @p1 $0x0  }
0x1e: {  	[tilespmem:s23+$0x2040 ss:$0x81] =	vst.msk $0xffff, v60;
	s21 =	sor.u32 s29, s21;
	s24 =	ssub.s32 s24, s27;
	s29 =	sand.u32 $0x7, s12  }
0x1f: {  	[tilespmem:s23+$0x2850 ss:$0x81] =	vst.msk $0xffff, v61;
	s21 =	sshrl.u32 s21, $0x3;
	s25 =	sadd.s32 s2, s31;
	s22 =	smul.u32 s28, s22  }
0x20: {  	[tilespmem:s23+$0x3060 ss:$0x81] =	vst.msk $0xffff, v62;
	s24 =	sshll.u32 s24, $0x7;
	s30 =	sshll.u32 s29, $0x12;
	s21 =	sadd.s32 s21, s25  }
0x21: {  	[tilespmem:s23+$0x0 ss:$0x81] =	vst.msk $0xffff, v63;
	s31 =	sor.u32 $0x400, s30;
	s21 =	sadd.s32 s24, s21;
	s22 =	sand.u32 $0x3FFFFFFF, s22  }
0x22: {  	[hbm4b:s21+s31] =	stream.strided.scatter [tilespmem:s20], [sflag:$0x2], s22, s9, s31, $0x20;
	[tilespmem:$0x10100] =	vst v63  }
.LBB1_5:
0x23: {  	p1 =	slt.u32 s16, $0x2  }
0x24: {  	p2 =	sgt.s32 @!p1 s19, $0x19  }
0x25: {  	s20 =	smov.u32 s19;
	s21 =	sshra.s32 @!p1 s19, $0x1F;
	p2 =	por !p2, p1  }
0x26: {  	s19 =	sand.u32 @!p1 s21, s19;
	s20 =	simm.s32 @p2 $0x19  }
0x27: {  	p3 =	sgt.s32 @!p1 s17, $0x368;
	s19 =	ssub.s32 @!p1 s20, s19  }
0x28: {  	p4 =	sgt.s32 @!p1 s18, $0x380;
	s22 =	sshra.s32 @!p1 s18, $0x1F;
	s20 =	sadd.s32 @!p1 $0xFFFFFFE7, s19  }
0x29: {  	s21 =	smov.u32 s17;
	p2 =	sgt.s32 @!p1 s20, $0x0;
	s20 =	sshra.s32 @!p1 s17, $0x1F  }
0x2a: {  	p4 =	por !p4, p1;
	s17 =	sand.u32 @!p1 s20, s17;
	s20 =	smov.u32 s18  }
0x2b: {  	p3 =	por !p3, p1;
	s18 =	sand.u32 @!p1 s22, s18;
	s20 =	simm.s32 @p4 $0x380  }
0x2c: {  	s21 =	simm.s32 @p3 $0x368;
	s19 =	ssub.s32 @!p1 $0x1A, s19;
	s18 =	ssub.s32 @!p1 s20, s18  }
0x2d: {  	p2 =	por !p2, p1;
	s17 =	ssub.s32 @!p1 s21, s17;
	s21 =	sadd.s32 @!p1 $0xFFFFFC80, s18  }
0x2e: {  	s19 =	simm.s32 @!p2 $0x0;
	p3 =	sgt.s32 @!p1 s21, $0x7F  }
0x2f: {  	s20 =	sadd.s32 @!p1 $0xFFFFFC98, s17;
	s18 =	ssub.s32 @!p1 $0x400, s18;
	p3 =	por !p3, p1  }
0x30: {  	p2 =	sgt.s32 @!p1 s20, $0x7F;
	s20 =	sadd.s32 $0x200, s13;
	s18 =	simm.s32 @!p3 $0x0  }
0x31: {  	p3 =	sgt.s32 s20, $0x3E7;
	s18 =	smul.u32 @!p1 s18, s19;
	s19 =	simm.s32 $0x1  }
0x32: {  	s17 =	ssub.s32 @!p1 $0x3E8, s17;
	p2 =	por !p2, p1;
	s19 =	simm.s32 @!p3 $0x0  }
0x33: {  	s22 =	smov.u32 s15;
	s17 =	simm.s32 @!p2 $0x0;
	s21 =	sadd.s32 s19, s14  }
0x34: {  	s17 =	smul.u32 @!p1 s17, s18;
	s18 =	sadd.s32 $0x400, s15;
	p2 =	sgt.s32 s21, $0x19  }
0x35: {  	p0 =	por !p0, !p0;
	s23 =	simm.s32 @!p1 $0x2;
	s22 =	smov.u32 @p2 s18  }
0x36: {  	s20 =	smov.u32 @p3 s7;
	s21 =	simm.s32 @p2 $0x0;
	p2 =	sgt.s32 s22, $0x3FF  }
0x37: {  	s19 =	smov.u32 s11;
	s22 =	smov.u32 @p2 s3;
	p2 =	sne.s32 s16, s8  }
.Ltmp1:
0x38: {  	s11 =	smov.u32 s14;
	s17 =	sand.u32 @!p1 $0x3FFFFFFF, s17;
	(pc) =	sbr.rel @!p2 .LBB1_6-.Ltmp1, $4  }
0x39: {  	s18 =	smov.u32 s12;
	s12 =	smov.u32 s15;
	_ =	swait.ge @!p1 [sflag:s23], s17  }
0x3a: {  	s24 =	ssub.s32 @!p1 $0x0, s17;
	s17 =	smov.u32 s10;
	s10 =	smov.u32 s13  }
0x3b: {  	s13 =	smov.u32 s20;
	s14 =	smov.u32 s21;
	[sflag:s23] =	ssyncset.done @!p1 $0x0  }
0x3c: {  	s16 =	sadd.s32 $0x1, s16;
	[sflag:s23] =	ssyncadd.s32 @!p1 s24;
	s15 =	smov.u32 s22  }
.LBB1_1:
0x3d: {  	p1 =	sge.u32 s16, s6  }
0x3e: {  	s31 =	sadd.s32 $0xFFFFFFFF, s16;
	s20 =	sshll.u32 @!p1 s14, $0x7  }
0x3f: {  	s21 =	sxor.u32 @!p1 $0xFFFFFFFF, s16;
	s22 =	sand.u32 @!p1 $0x78, s13;
	s23 =	sand.u32 @!p1 $0x380, s20  }
0x40: {  	s21 =	sshll.u32 @!p1 s21, $0xE;
	s22 =	sor.u32 @!p1 s22, s23;
	s23 =	sshll.u32 @!p1 s15, $0xC  }
0x41: {  	s20 =	sand.u32 @!p1 $0xC00, s20;
	s22 =	sshrl.u32 @!p1 s22, $0x3;
	s23 =	sadd.s32 @!p1 s4, s23  }
0x42: {  	s20 =	sadd.s32 @!p1 s13, s20;
	s22 =	sadd.s32 @!p1 s22, s23;
	s23 =	sand.u32 @!p1 $0x7, s13  }
0x43: {  	s21 =	sand.u32 @!p1 $0x4000, s21;
	s20 =	sand.u32 @!p1 $0xF80, s20;
	s23 =	sshll.u32 @!p1 s23, $0x12  }
0x44: {  	s20 =	sadd.s32 @!p1 s20, s22;
	s22 =	sor.u32 @!p1 $0x80, s23;
	s23 =	simm.s32 @!p1 $0x8000  }
0x45: {  	[tilespmem:s21], [sflag:$0x1] =	stream.strided.gather @!p1 [hbm4b:s20+s22], $0x4000, s23, s22, $0x38;
	[tilespmem:$0x10100] =	vst v63  }
0x46: {  	p1 =	sge.u32 s31, s6  }
.Ltmp2:
0x47: {  	_ = 	snop;
	(pc) =	sbr.rel @p1 .LBB1_5-.Ltmp2, $1  }
0x48: {  	_ =	sdelay $0x3  }
0x49: {  	s20 =	simm.s32 $0x1  }
0x4a: {  	_ =	swait.ge [sflag:s5], $0x4000;
	s20 =	simm.s32 @!p0 $0x0  }
0x4b: {  	[sflag:s5] =	ssyncset.done $0x0;
	s21 =	sshll.u32 s20, $0xE  }
0x4c: {  	[sflag:s5] =	ssyncadd.s32 $0xFFFFC000;
	s21 =	sor.u32 $0x40, s21  }
0x4d: {  	s20 =	smul.u32 $0x10200, s20;
	v0 =	vld [tilespmem:s21+$0x30]  }
0x4e: {  	v1 =	vld [tilespmem:s21+$0xFFFFFFD0]  }
0x4f: {  	s20 =	sshrl.u32 s20, $0x2;
	v5 =	vld [tilespmem:s21+$0xFFFFFFE0]  }
0x50: {  	v6 =	vld [tilespmem:s21+$0xFFFFFFF0];
	s23 =	sor.u32 $0x8000, s20  }
0x51: {  	s31 =	sand.u32 $0x1, s16;
	v4 =	vld [tilespmem:s21+$0x0];
	s22 =	sadd.s32 $0x0, s23  }
0x52: {  	v3 =	vld [tilespmem:s21+$0x10];
	s20 =	smul.u32 $0x10200, s31;
	[tilespmem:s22+$0x3870 ss:$0x81] =	vst.msk $0xffff, v0  }
0x53: {  	v2 =	vld [tilespmem:s21+$0x20];
	[tilespmem:s22+$0x810 ss:$0x81] =	vst.msk $0xffff, v1  }
0x54: {  	s20 =	sshrl.u32 s20, $0x2;
	v1 =	vld [tilespmem:s21+$0xFFFFFFC0];
	[tilespmem:s22+$0x1020 ss:$0x81] =	vst.msk $0xffff, v5;
	s21 =	sadd.s32 $0x80, s21  }
0x55: {  	s24 =	simm.s32 $0x4;
	s25 =	simm.s32 $0x8;
	s20 =	sor.u32 $0x8000, s20;
	[tilespmem:s22+$0x1830 ss:$0x81] =	vst.msk $0xffff, v6;
	v0 =	vld [tilespmem:s21+$0x30]  }
.LBB1_3:
0x56: {  	p1 =	sne.s32 s25, $0x1FC;
	v5 =	vld [tilespmem:s21+$0xFFFFFFD0];
	[tilespmem:s22+$0x2040 ss:$0x81] =	vst.msk $0xffff, v4  }
0x57: {  	v6 =	vld [tilespmem:s21+$0xFFFFFFE0];
	[tilespmem:s22+$0x2850 ss:$0x81] =	vst.msk $0xffff, v3  }
0x58: {  	s26 =	sshra.s32 s24, $0x2;
	s24 =	smov.u32 s25;
	v7 =	vld [tilespmem:s21+$0xFFFFFFF0];
	[tilespmem:s22+$0x3060 ss:$0x81] =	vst.msk $0xffff, v2  }
.Ltmp3:
0x59: {  	v4 =	vld [tilespmem:s21+$0x0];
	[tilespmem:s22+$0x0 ss:$0x81] =	vst.msk $0xffff, v1;
	s22 =	sadd.s32 s26, s23;
	(pc) =	sbr.rel @p1 .LBB1_3-.Ltmp3, $4  }
0x5a: {  	v3 =	vld [tilespmem:s21+$0x10];
	[tilespmem:s22+$0x3870 ss:$0x81] =	vst.msk $0xffff, v0  }
0x5b: {  	[tilespmem:s22+$0x810 ss:$0x81] =	vst.msk $0xffff, v5;
	v2 =	vld [tilespmem:s21+$0x20]  }
0x5c: {  	v1 =	vld [tilespmem:s21+$0xFFFFFFC0];
	[tilespmem:s22+$0x1020 ss:$0x81] =	vst.msk $0xffff, v6;
	s21 =	sadd.s32 $0x80, s21  }
0x5d: {  	s25 =	sadd.s32 $0x4, s25;
	v0 =	vld [tilespmem:s21+$0x30];
	[tilespmem:s22+$0x1830 ss:$0x81] =	vst.msk $0xffff, v7  }
.Ltmp4:
0x5e: {  	_ = 	snop;
	(pc) =	sbr.rel .LBB1_4-.Ltmp4, $1  }
0x5f: {  	_ =	sdelay $0x3  }
.LBB1_6:
0x60: {  	_ =	sfence.sel $0x180000  }
0x61: {  	s2 =	simm.s32 $0x1;
	[bflag:$0x0] =	sbarrier.arrive $0xFFFF  }
0x62: {  	s31 =	simm.s32 $0x2;
	[sflag:s2] =	ssyncpa.u1 $0x1  }
0x63: {  	[sflag:s31] =	ssyncpa.u1 $0x1  }
0x64: {  	p0 =	sne.s32 s0, $0x0;
	_ =	strace $0x90000047  }
0x65: {  	s0 =	sadd.s32 @!p0 $0x100000, s1;
	[bflag:$0x2] =	sbarrier.arrive $0xFFFF  }
0x66: {  	[sflag:s0] =	ssyncadd.tile.s32 @!p0 $0x1;
	_ =	shalt  }
.Lfunc_end1:
_tile_overlayer_lowered:
.L_overlay_start_2:
0x67: {  	(tag) =	ssettag $0x2  }
0x68: {  	s0 =	rddreg [dreg:$0x0];
	s2 =	stileid.u32  }
0x69: {  	s1 =	rddreg [dreg:$0x1];
	p0 =	sne.s32 s2, $0x0  }
0x6a: {  	s3 =	rddreg [dreg:$0x2];
	[bflag:$0x3] =	sbarrier.arrive $0xFFFF;
	s2 =	simm.s32 @!p0 $0x1C01  }
0x6b: {  	[timem:s3], [sflag:s2] =	dma.local @!p0 [hbm:s0], s1  }
0x6c: {  	s0 =	simm.s32 @!p0 $0x1  }
0x6d: {  	_ =	swait.ge @!p0 [sflag:s0], s1  }
0x6e: {  	s1 =	ssub.s32 @!p0 $0x0, s1;
	[sflag:s0] =	ssyncset.done @!p0 $0x0  }
0x6f: {  	[sflag:s0] =	ssyncadd.s32 @!p0 s1  }
0x70: {  	[bflag:$0x3] =	sbarrier.arrive $0xFFFF  }
0x71: {  	_ =	shalt  }

</sc_bundles>
